<compile_context>
chip_gen: v7x
topology: tpu7x:2x2x1
jax: 0.10.2.dev20260603
libtpu: 0.0.44.dev20260713+nightly
codegen_flags: <defaults>
</compile_context>

<pallas_src>
import numpy as np
import jax
import jax.numpy as jnp
from jax import lax
from jax.experimental import pallas as pl
from jax.experimental.pallas import tpu as pltpu

_N = 4096
_BOX = 20.0
_CUTOFF = 2.5
_ROWS = 256
_COLT = 256
_NRB = _N // _ROWS
_NCT = _N // _COLT

_DEG = 8
_NODES = 32

_theta = np.pi * (np.arange(_NODES) + 0.5) / _NODES
_UNODES = np.cos(_theta)
_SNODES = np.sqrt((_UNODES + 1.0) / 2.0)
_DPLUS = (0.5 * _CUTOFF) * (_SNODES + 1.0)
_DMINUS = (0.5 * _CUTOFF) * (1.0 - _SNODES)
_DCT = (2.0 / _NODES) * np.cos(np.outer(np.arange(_DEG), _theta))
_DCT[0] *= 0.5


def _energy_kernel(cnt_ref, tiles_ref, xyz_ref, xt_ref, c_ref, out_ref):
    row_l = lax.broadcasted_iota(jnp.int32, (_ROWS, _COLT), 0)
    col_l = lax.broadcasted_iota(jnp.int32, (_ROWS, _COLT), 1)
    tri = col_l > row_l

    def row_body(i, total):
        rows = [xyz_ref[pl.ds(i * _ROWS, _ROWS), c : c + 1] for c in range(3)]

        def tile_sum(ct, extra_mask):
            c0 = ct * _COLT
            dsq = jnp.zeros((_ROWS, _COLT), jnp.float32)
            for c in range(3):
                col = xt_ref[c : c + 1, pl.ds(c0, _COLT)]
                d = col - rows[c]
                d = d - _BOX * jnp.round(d * (1.0 / _BOX))
                dsq = dsq + d * d

            mask = (dsq < _CUTOFF * _CUTOFF) & (dsq > 0.0)
            if extra_mask is not None:
                mask = mask & extra_mask
            dist = jnp.sqrt(dsq)

            s = (2.0 / _CUTOFF) * dist - 1.0
            u2 = 4.0 * s * s - 2.0
            pa = jnp.zeros((_ROWS, _COLT), jnp.float32)
            pb = jnp.zeros((_ROWS, _COLT), jnp.float32)
            qa = jnp.zeros((_ROWS, _COLT), jnp.float32)
            qb = jnp.zeros((_ROWS, _COLT), jnp.float32)
            for k in range(_DEG - 1, 0, -1):
                pa, pb = c_ref[k] + u2 * pa - pb, pa
                qa, qb = c_ref[_DEG + k] + u2 * qa - qb, qa
            p = c_ref[0] + 0.5 * u2 * pa - pb
            q = c_ref[_DEG] + 0.5 * u2 * qa - qb
            e = p + s * q

            return jnp.sum(jnp.where(mask, e, 0.0))

        def tile_body(t, acc):
            return acc + tile_sum(tiles_ref[i, t], None)

        total = total + tile_sum(i, tri)
        return lax.fori_loop(0, cnt_ref[i], tile_body, total)

    total = lax.fori_loop(0, _NRB, row_body, jnp.float32(0.0))
    out_ref[0, 0] = total + total


def kernel(xyz, W1, b1, W2, b2):
    dp = jnp.asarray(_DPLUS, jnp.float32)
    dm = jnp.asarray(_DMINUS, jnp.float32)
    sn = jnp.asarray(_SNODES, jnp.float32)
    ap = dp[:, None] @ W1 + b1
    am = dm[:, None] @ W1 + b1
    fp = (jnp.tanh(ap) @ W2)[:, 0] + b2[0]
    fm = (jnp.tanh(am) @ W2)[:, 0] + b2[0]
    even = 0.5 * (fp + fm)
    z = _CUTOFF * (sn[:, None] * W1[0])
    zsafe = jnp.where(jnp.abs(z) < 1e-4, 1.0, z)
    sinhc = jnp.where(jnp.abs(z) < 1e-4, 1.0, jnp.sinh(z) / zsafe)
    ratio = (0.5 * _CUTOFF) * W1[0] * sinhc / (jnp.cosh(ap) * jnp.cosh(am))
    odd = ratio @ W2[:, 0]
    dct = jnp.asarray(_DCT, jnp.float32)
    coef = jnp.concatenate([dct @ even, dct @ odd])

    order = jnp.argsort(xyz[:, 0])
    xyzs = xyz[order]
    xs = xyzs[:, 0]

    xb = xs.reshape(_NRB, _ROWS)
    lo_val = xb[:, 0] - _CUTOFF
    hi_val = xb[:, -1] + _CUTOFF
    full = (hi_val - lo_val) >= _BOX
    lo_m = jnp.mod(lo_val, _BOX)
    hi_m = jnp.mod(hi_val, _BOX)
    lo_idx = jnp.searchsorted(xs, lo_m, side="left").astype(jnp.int32)
    hi_idx = jnp.searchsorted(xs, hi_m, side="right").astype(jnp.int32)
    start_tile = lo_idx // _COLT
    end_tile = (hi_idx + _COLT - 1) // _COLT
    n_lin = end_tile - start_tile
    n_wrap = _NCT - start_tile + end_tile
    n_tiles = jnp.where(hi_m >= lo_m, n_lin, n_wrap)
    n_tiles = jnp.where(full, _NCT, n_tiles)
    n_tiles = jnp.clip(n_tiles, 1, _NCT).astype(jnp.int32)
    start_tile = start_tile.astype(jnp.int32)

    ct = jnp.arange(_NCT, dtype=jnp.int32)[None, :]
    in_win = ((ct - start_tile[:, None]) % _NCT) < n_tiles[:, None]
    keep = in_win & (ct > jnp.arange(_NRB, dtype=jnp.int32)[:, None])
    cnt = keep.sum(axis=1).astype(jnp.int32)
    pack = jnp.argsort(~keep, axis=1, stable=True)
    tiles = jnp.take_along_axis(jnp.broadcast_to(ct, (_NRB, _NCT)), pack,
                                axis=1).astype(jnp.int32)

    out = pl.pallas_call(
        _energy_kernel,
        in_specs=[
            pl.BlockSpec(memory_space=pltpu.SMEM),
            pl.BlockSpec(memory_space=pltpu.SMEM),
            pl.BlockSpec((_N, 3), lambda: (0, 0)),
            pl.BlockSpec((3, _N), lambda: (0, 0)),
            pl.BlockSpec(memory_space=pltpu.SMEM),
        ],
        out_specs=pl.BlockSpec(memory_space=pltpu.SMEM),
        out_shape=jax.ShapeDtypeStruct((1, 1), jnp.float32),
    )(cnt, tiles, xyzs, xyzs.T, coef)
    return out[0, 0]

# --- scband reference (transcript-rebuilt; emitter-appended) ---
"""Pipeline reference for scband-pair-potentials-50903952392739 (READ-ONLY COPY).

The authoritative reference and input builder live on the scoring server;
editing this copy changes nothing except your own understanding.
"""

import jax, jax.numpy as jnp
import numpy as np

N = 4096
BOX = 20.0
CUTOFF = 2.5
HIDDEN = 16


def setup_inputs(seed: int = 0) -> dict:
    key = jax.random.key(seed)
    k1, k2, k3 = jax.random.split(key, 3)
    # atom positions uniformly filling the periodic box
    xyz = jax.random.uniform(k1, (N, 3), dtype=jnp.float32) * BOX
    # pair_model: small MLP  d -> tanh(d@W1+b1) @ W2 + b2
    W1 = jax.random.normal(k2, (1, HIDDEN), dtype=jnp.float32) * 0.5
    b1 = jnp.zeros((HIDDEN,), dtype=jnp.float32)
    W2 = jax.random.normal(k3, (HIDDEN, 1), dtype=jnp.float32) * 0.1
    b2 = jnp.zeros((1,), dtype=jnp.float32)
    return {"xyz": xyz, "W1": W1, "b1": b1, "W2": W2, "b2": b2}


def _pair_model(d, W1, b1, W2, b2):
    h = jnp.tanh(d @ W1 + b1)
    return h @ W2 + b2


def reference(xyz, W1, b1, W2, b2):
    cell = jnp.array([BOX, BOX, BOX], dtype=jnp.float32)
    # all-pairs displacement with minimum-image convention (generate_nbr_list)
    dis_mat = xyz[None, :, :] - xyz[:, None, :]
    offsets = (-(dis_mat >= 0.5 * cell).astype(jnp.float32)
               + (dis_mat < -0.5 * cell).astype(jnp.float32))
    dis_mat = dis_mat + offsets * cell
    dis_sq = jnp.sum(dis_mat ** 2, axis=-1)
    # neighbor mask: within cutoff, excluding self-pairs
    mask = (dis_sq < CUTOFF ** 2) & (dis_sq > 0.0)
    # safe sqrt to avoid nan grads at masked-out zero entries
    pair_dis = jnp.sqrt(jnp.where(mask, dis_sq, 1.0))
    # energy = model(pair_dis[..., None]).sum() over neighbor pairs
    e = _pair_model(pair_dis[..., None], W1, b1, W2, b2)[..., 0]
    energy = jnp.sum(jnp.where(mask, e, 0.0))
    return energy

if __name__ == "__main__":
    import jax
    _d = setup_inputs()
    print(jax.jit(kernel)(*tuple(_d.values())))

</pallas_src>

<mosaic_0001>
module attributes {stable_mosaic.version = 14 : i64} {
  func.func @_energy_kernel(%arg0: memref<16xi32, #tpu.memory_space<smem>>, %arg1: memref<16x16xi32, #tpu.memory_space<smem>>, %arg2: memref<4096x3xf32, #tpu.memory_space<vmem>>, %arg3: memref<3x4096xf32, #tpu.memory_space<vmem>>, %arg4: memref<16xf32, #tpu.memory_space<smem>>, %arg5: memref<1x1xf32, #tpu.memory_space<smem>>) attributes {dimension_semantics = [], scalar_prefetch = 0 : i64, scratch_operands = 0 : i64, tpu.core_type = #tpu.core_type<tc>} {
    %iota3A = tpu.iota {dimensions = array<i32: 0>} : vector<256x256xi32>
    %iota3A_0 = tpu.iota {dimensions = array<i32: 1>} : vector<256x256xi32>
    %gt3A = arith.cmpi sgt, %iota3A_0, %iota3A : vector<256x256xi32>
    %scan3A = arith.constant 0.000000e+00 : f32
    %scan3A_1 = arith.constant 0 : i32
    %scan3A_2 = arith.constant 16 : i32
    %scan3A_3 = arith.addi %scan3A_1, %scan3A_2 : i32
    %scan3A_4 = arith.constant 1 : i32
    %scan3A_5 = scf.for %scan3A_9 = %scan3A_1 to %scan3A_3 step %scan3A_4 iter_args(%scan3A_10 = %scan3A) -> (f32)  : i32 {
      %mul3A = arith.constant 256 : i32
      %mul3A_11 = arith.muli %scan3A_9, %mul3A : i32
      %get3A = arith.index_cast %mul3A_11 : i32 to index
      %get3A_12 = arith.constant 0 : index
      %get3A_13 = vector.load %arg2[%get3A, %get3A_12] : memref<4096x3xf32, #tpu.memory_space<vmem>>, vector<256x1xf32>
      %mul3A_14 = arith.constant 256 : i32
      %mul3A_15 = arith.muli %scan3A_9, %mul3A_14 : i32
      %get3A_16 = arith.index_cast %mul3A_15 : i32 to index
      %get3A_17 = arith.constant 1 : index
      %get3A_18 = vector.load %arg2[%get3A_16, %get3A_17] : memref<4096x3xf32, #tpu.memory_space<vmem>>, vector<256x1xf32>
      %mul3A_19 = arith.constant 256 : i32
      %mul3A_20 = arith.muli %scan3A_9, %mul3A_19 : i32
      %get3A_21 = arith.index_cast %mul3A_20 : i32 to index
      %get3A_22 = arith.constant 2 : index
      %get3A_23 = vector.load %arg2[%get3A_21, %get3A_22] : memref<4096x3xf32, #tpu.memory_space<vmem>>, vector<256x1xf32>
      %mul3A_24 = arith.constant 256 : i32
      %mul3A_25 = arith.muli %scan3A_9, %mul3A_24 : i32
      %broadcast_in_dim3A = arith.constant 0.000000e+00 : f32
      %broadcast_in_dim3A_26 = vector.broadcast %broadcast_in_dim3A : f32 to vector<256x256xf32>
      %get3A_27 = arith.constant 0 : index
      %get3A_28 = arith.index_cast %mul3A_25 : i32 to index
      %get3A_29 = vector.load %arg3[%get3A_27, %get3A_28] : memref<3x4096xf32, #tpu.memory_space<vmem>>, vector<1x256xf32>
      %sub3A = vector.broadcast %get3A_29 : vector<1x256xf32> to vector<256x256xf32>
      %sub3A_30 = vector.broadcast %get3A_13 : vector<256x1xf32> to vector<256x256xf32>
      %sub3A_31 = arith.subf %sub3A, %sub3A_30 : vector<256x256xf32>
      %mul3A_32 = arith.constant 5.000000e-02 : f32
      %mul3A_33 = vector.broadcast %mul3A_32 : f32 to vector<256x256xf32>
      %mul3A_34 = arith.mulf %sub3A_31, %mul3A_33 : vector<256x256xf32>
      %round3A = math.roundeven %mul3A_34 : vector<256x256xf32>
      %mul3A_35 = arith.constant 2.000000e+01 : f32
      %mul3A_36 = vector.broadcast %mul3A_35 : f32 to vector<256x256xf32>
      %mul3A_37 = arith.mulf %mul3A_36, %round3A : vector<256x256xf32>
      %sub3A_38 = arith.subf %sub3A_31, %mul3A_37 : vector<256x256xf32>
      %mul3A_39 = arith.mulf %sub3A_38, %sub3A_38 : vector<256x256xf32>
      %add3A_40 = arith.addf %broadcast_in_dim3A_26, %mul3A_39 : vector<256x256xf32>
      %get3A_41 = arith.constant 1 : index
      %get3A_42 = arith.index_cast %mul3A_25 : i32 to index
      %get3A_43 = vector.load %arg3[%get3A_41, %get3A_42] : memref<3x4096xf32, #tpu.memory_space<vmem>>, vector<1x256xf32>
      %sub3A_44 = vector.broadcast %get3A_43 : vector<1x256xf32> to vector<256x256xf32>
      %sub3A_45 = vector.broadcast %get3A_18 : vector<256x1xf32> to vector<256x256xf32>
      %sub3A_46 = arith.subf %sub3A_44, %sub3A_45 : vector<256x256xf32>
      %mul3A_47 = arith.constant 5.000000e-02 : f32
      %mul3A_48 = vector.broadcast %mul3A_47 : f32 to vector<256x256xf32>
      %mul3A_49 = arith.mulf %sub3A_46, %mul3A_48 : vector<256x256xf32>
      %round3A_50 = math.roundeven %mul3A_49 : vector<256x256xf32>
      %mul3A_51 = arith.constant 2.000000e+01 : f32
      %mul3A_52 = vector.broadcast %mul3A_51 : f32 to vector<256x256xf32>
      %mul3A_53 = arith.mulf %mul3A_52, %round3A_50 : vector<256x256xf32>
      %sub3A_54 = arith.subf %sub3A_46, %mul3A_53 : vector<256x256xf32>
      %mul3A_55 = arith.mulf %sub3A_54, %sub3A_54 : vector<256x256xf32>
      %add3A_56 = arith.addf %add3A_40, %mul3A_55 : vector<256x256xf32>
      %get3A_57 = arith.constant 2 : index
      %get3A_58 = arith.index_cast %mul3A_25 : i32 to index
      %get3A_59 = vector.load %arg3[%get3A_57, %get3A_58] : memref<3x4096xf32, #tpu.memory_space<vmem>>, vector<1x256xf32>
      %sub3A_60 = vector.broadcast %get3A_59 : vector<1x256xf32> to vector<256x256xf32>
      %sub3A_61 = vector.broadcast %get3A_23 : vector<256x1xf32> to vector<256x256xf32>
      %sub3A_62 = arith.subf %sub3A_60, %sub3A_61 : vector<256x256xf32>
      %mul3A_63 = arith.constant 5.000000e-02 : f32
      %mul3A_64 = vector.broadcast %mul3A_63 : f32 to vector<256x256xf32>
      %mul3A_65 = arith.mulf %sub3A_62, %mul3A_64 : vector<256x256xf32>
      %round3A_66 = math.roundeven %mul3A_65 : vector<256x256xf32>
      %mul3A_67 = arith.constant 2.000000e+01 : f32
      %mul3A_68 = vector.broadcast %mul3A_67 : f32 to vector<256x256xf32>
      %mul3A_69 = arith.mulf %mul3A_68, %round3A_66 : vector<256x256xf32>
      %sub3A_70 = arith.subf %sub3A_62, %mul3A_69 : vector<256x256xf32>
      %mul3A_71 = arith.mulf %sub3A_70, %sub3A_70 : vector<256x256xf32>
      %add3A_72 = arith.addf %add3A_56, %mul3A_71 : vector<256x256xf32>
      %lt3A = arith.constant 6.250000e+00 : f32
      %lt3A_73 = vector.broadcast %lt3A : f32 to vector<256x256xf32>
      %lt3A_74 = arith.cmpf olt, %add3A_72, %lt3A_73 : vector<256x256xf32>
      %gt3A_75 = arith.constant 0.000000e+00 : f32
      %gt3A_76 = vector.broadcast %gt3A_75 : f32 to vector<256x256xf32>
      %gt3A_77 = arith.cmpf ogt, %add3A_72, %gt3A_76 : vector<256x256xf32>
      %and3A = arith.andi %lt3A_74, %gt3A_77 : vector<256x256xi1>
      %and3A_78 = arith.andi %and3A, %gt3A : vector<256x256xi1>
      %sqrt3A = math.sqrt %add3A_72 : vector<256x256xf32>
      %mul3A_79 = arith.constant 8.000000e-01 : f32
      %mul3A_80 = vector.broadcast %mul3A_79 : f32 to vector<256x256xf32>
      %mul3A_81 = arith.mulf %mul3A_80, %sqrt3A : vector<256x256xf32>
      %sub3A_82 = arith.constant 1.000000e+00 : f32
      %sub3A_83 = vector.broadcast %sub3A_82 : f32 to vector<256x256xf32>
      %sub3A_84 = arith.subf %mul3A_81, %sub3A_83 : vector<256x256xf32>
      %mul3A_85 = arith.constant 4.000000e+00 : f32
      %mul3A_86 = vector.broadcast %mul3A_85 : f32 to vector<256x256xf32>
      %mul3A_87 = arith.mulf %mul3A_86, %sub3A_84 : vector<256x256xf32>
      %mul3A_88 = arith.mulf %mul3A_87, %sub3A_84 : vector<256x256xf32>
      %sub3A_89 = arith.constant 2.000000e+00 : f32
      %sub3A_90 = vector.broadcast %sub3A_89 : f32 to vector<256x256xf32>
      %sub3A_91 = arith.subf %mul3A_88, %sub3A_90 : vector<256x256xf32>
      %broadcast_in_dim3A_92 = arith.constant 0.000000e+00 : f32
      %broadcast_in_dim3A_93 = vector.broadcast %broadcast_in_dim3A_92 : f32 to vector<256x256xf32>
      %broadcast_in_dim3A_94 = arith.constant 0.000000e+00 : f32
      %broadcast_in_dim3A_95 = vector.broadcast %broadcast_in_dim3A_94 : f32 to vector<256x256xf32>
      %broadcast_in_dim3A_96 = arith.constant 0.000000e+00 : f32
      %broadcast_in_dim3A_97 = vector.broadcast %broadcast_in_dim3A_96 : f32 to vector<256x256xf32>
      %broadcast_in_dim3A_98 = arith.constant 0.000000e+00 : f32
      %broadcast_in_dim3A_99 = vector.broadcast %broadcast_in_dim3A_98 : f32 to vector<256x256xf32>
      %get3A_100 = arith.constant 7 : index
      %get3A_101 = memref.load %arg4[%get3A_100] : memref<16xf32, #tpu.memory_space<smem>>
      %mul3A_102 = arith.mulf %sub3A_91, %broadcast_in_dim3A_93 : vector<256x256xf32>
      %add3A_103 = vector.broadcast %get3A_101 : f32 to vector<256x256xf32>
      %add3A_104 = arith.addf %add3A_103, %mul3A_102 : vector<256x256xf32>
      %sub3A_105 = arith.subf %add3A_104, %broadcast_in_dim3A_95 : vector<256x256xf32>
      %get3A_106 = arith.constant 15 : index
      %get3A_107 = memref.load %arg4[%get3A_106] : memref<16xf32, #tpu.memory_space<smem>>
      %mul3A_108 = arith.mulf %sub3A_91, %broadcast_in_dim3A_97 : vector<256x256xf32>
      %add3A_109 = vector.broadcast %get3A_107 : f32 to vector<256x256xf32>
      %add3A_110 = arith.addf %add3A_109, %mul3A_108 : vector<256x256xf32>
      %sub3A_111 = arith.subf %add3A_110, %broadcast_in_dim3A_99 : vector<256x256xf32>
      %get3A_112 = arith.constant 6 : index
      %get3A_113 = memref.load %arg4[%get3A_112] : memref<16xf32, #tpu.memory_space<smem>>
      %mul3A_114 = arith.mulf %sub3A_91, %sub3A_105 : vector<256x256xf32>
      %add3A_115 = vector.broadcast %get3A_113 : f32 to vector<256x256xf32>
      %add3A_116 = arith.addf %add3A_115, %mul3A_114 : vector<256x256xf32>
      %sub3A_117 = arith.subf %add3A_116, %broadcast_in_dim3A_93 : vector<256x256xf32>
      %get3A_118 = arith.constant 14 : index
      %get3A_119 = memref.load %arg4[%get3A_118] : memref<16xf32, #tpu.memory_space<smem>>
      %mul3A_120 = arith.mulf %sub3A_91, %sub3A_111 : vector<256x256xf32>
      %add3A_121 = vector.broadcast %get3A_119 : f32 to vector<256x256xf32>
      %add3A_122 = arith.addf %add3A_121, %mul3A_120 : vector<256x256xf32>
      %sub3A_123 = arith.subf %add3A_122, %broadcast_in_dim3A_97 : vector<256x256xf32>
      %get3A_124 = arith.constant 5 : index
      %get3A_125 = memref.load %arg4[%get3A_124] : memref<16xf32, #tpu.memory_space<smem>>
      %mul3A_126 = arith.mulf %sub3A_91, %sub3A_117 : vector<256x256xf32>
      %add3A_127 = vector.broadcast %get3A_125 : f32 to vector<256x256xf32>
      %add3A_128 = arith.addf %add3A_127, %mul3A_126 : vector<256x256xf32>
      %sub3A_129 = arith.subf %add3A_128, %sub3A_105 : vector<256x256xf32>
      %get3A_130 = arith.constant 13 : index
      %get3A_131 = memref.load %arg4[%get3A_130] : memref<16xf32, #tpu.memory_space<smem>>
      %mul3A_132 = arith.mulf %sub3A_91, %sub3A_123 : vector<256x256xf32>
      %add3A_133 = vector.broadcast %get3A_131 : f32 to vector<256x256xf32>
      %add3A_134 = arith.addf %add3A_133, %mul3A_132 : vector<256x256xf32>
      %sub3A_135 = arith.subf %add3A_134, %sub3A_111 : vector<256x256xf32>
      %get3A_136 = arith.constant 4 : index
      %get3A_137 = memref.load %arg4[%get3A_136] : memref<16xf32, #tpu.memory_space<smem>>
      %mul3A_138 = arith.mulf %sub3A_91, %sub3A_129 : vector<256x256xf32>
      %add3A_139 = vector.broadcast %get3A_137 : f32 to vector<256x256xf32>
      %add3A_140 = arith.addf %add3A_139, %mul3A_138 : vector<256x256xf32>
      %sub3A_141 = arith.subf %add3A_140, %sub3A_117 : vector<256x256xf32>
      %get3A_142 = arith.constant 12 : index
      %get3A_143 = memref.load %arg4[%get3A_142] : memref<16xf32, #tpu.memory_space<smem>>
      %mul3A_144 = arith.mulf %sub3A_91, %sub3A_135 : vector<256x256xf32>
      %add3A_145 = vector.broadcast %get3A_143 : f32 to vector<256x256xf32>
      %add3A_146 = arith.addf %add3A_145, %mul3A_144 : vector<256x256xf32>
      %sub3A_147 = arith.subf %add3A_146, %sub3A_123 : vector<256x256xf32>
      %get3A_148 = arith.constant 3 : index
      %get3A_149 = memref.load %arg4[%get3A_148] : memref<16xf32, #tpu.memory_space<smem>>
      %mul3A_150 = arith.mulf %sub3A_91, %sub3A_141 : vector<256x256xf32>
      %add3A_151 = vector.broadcast %get3A_149 : f32 to vector<256x256xf32>
      %add3A_152 = arith.addf %add3A_151, %mul3A_150 : vector<256x256xf32>
      %sub3A_153 = arith.subf %add3A_152, %sub3A_129 : vector<256x256xf32>
      %get3A_154 = arith.constant 11 : index
      %get3A_155 = memref.load %arg4[%get3A_154] : memref<16xf32, #tpu.memory_space<smem>>
      %mul3A_156 = arith.mulf %sub3A_91, %sub3A_147 : vector<256x256xf32>
      %add3A_157 = vector.broadcast %get3A_155 : f32 to vector<256x256xf32>
      %add3A_158 = arith.addf %add3A_157, %mul3A_156 : vector<256x256xf32>
      %sub3A_159 = arith.subf %add3A_158, %sub3A_135 : vector<256x256xf32>
      %get3A_160 = arith.constant 2 : index
      %get3A_161 = memref.load %arg4[%get3A_160] : memref<16xf32, #tpu.memory_space<smem>>
      %mul3A_162 = arith.mulf %sub3A_91, %sub3A_153 : vector<256x256xf32>
      %add3A_163 = vector.broadcast %get3A_161 : f32 to vector<256x256xf32>
      %add3A_164 = arith.addf %add3A_163, %mul3A_162 : vector<256x256xf32>
      %sub3A_165 = arith.subf %add3A_164, %sub3A_141 : vector<256x256xf32>
      %get3A_166 = arith.constant 10 : index
      %get3A_167 = memref.load %arg4[%get3A_166] : memref<16xf32, #tpu.memory_space<smem>>
      %mul3A_168 = arith.mulf %sub3A_91, %sub3A_159 : vector<256x256xf32>
      %add3A_169 = vector.broadcast %get3A_167 : f32 to vector<256x256xf32>
      %add3A_170 = arith.addf %add3A_169, %mul3A_168 : vector<256x256xf32>
      %sub3A_171 = arith.subf %add3A_170, %sub3A_147 : vector<256x256xf32>
      %get3A_172 = arith.constant 1 : index
      %get3A_173 = memref.load %arg4[%get3A_172] : memref<16xf32, #tpu.memory_space<smem>>
      %mul3A_174 = arith.mulf %sub3A_91, %sub3A_165 : vector<256x256xf32>
      %add3A_175 = vector.broadcast %get3A_173 : f32 to vector<256x256xf32>
      %add3A_176 = arith.addf %add3A_175, %mul3A_174 : vector<256x256xf32>
      %sub3A_177 = arith.subf %add3A_176, %sub3A_153 : vector<256x256xf32>
      %get3A_178 = arith.constant 9 : index
      %get3A_179 = memref.load %arg4[%get3A_178] : memref<16xf32, #tpu.memory_space<smem>>
      %mul3A_180 = arith.mulf %sub3A_91, %sub3A_171 : vector<256x256xf32>
      %add3A_181 = vector.broadcast %get3A_179 : f32 to vector<256x256xf32>
      %add3A_182 = arith.addf %add3A_181, %mul3A_180 : vector<256x256xf32>
      %sub3A_183 = arith.subf %add3A_182, %sub3A_159 : vector<256x256xf32>
      %get3A_184 = arith.constant 0 : index
      %get3A_185 = memref.load %arg4[%get3A_184] : memref<16xf32, #tpu.memory_space<smem>>
      %mul3A_186 = arith.constant 5.000000e-01 : f32
      %mul3A_187 = vector.broadcast %mul3A_186 : f32 to vector<256x256xf32>
      %mul3A_188 = arith.mulf %mul3A_187, %sub3A_91 : vector<256x256xf32>
      %mul3A_189 = arith.mulf %mul3A_188, %sub3A_177 : vector<256x256xf32>
      %add3A_190 = vector.broadcast %get3A_185 : f32 to vector<256x256xf32>
      %add3A_191 = arith.addf %add3A_190, %mul3A_189 : vector<256x256xf32>
      %sub3A_192 = arith.subf %add3A_191, %sub3A_165 : vector<256x256xf32>
      %get3A_193 = arith.constant 8 : index
      %get3A_194 = memref.load %arg4[%get3A_193] : memref<16xf32, #tpu.memory_space<smem>>
      %mul3A_195 = arith.constant 5.000000e-01 : f32
      %mul3A_196 = vector.broadcast %mul3A_195 : f32 to vector<256x256xf32>
      %mul3A_197 = arith.mulf %mul3A_196, %sub3A_91 : vector<256x256xf32>
      %mul3A_198 = arith.mulf %mul3A_197, %sub3A_183 : vector<256x256xf32>
      %add3A_199 = vector.broadcast %get3A_194 : f32 to vector<256x256xf32>
      %add3A_200 = arith.addf %add3A_199, %mul3A_198 : vector<256x256xf32>
      %sub3A_201 = arith.subf %add3A_200, %sub3A_171 : vector<256x256xf32>
      %mul3A_202 = arith.mulf %sub3A_84, %sub3A_201 : vector<256x256xf32>
      %add3A_203 = arith.addf %sub3A_192, %mul3A_202 : vector<256x256xf32>
      %jit3A = arith.constant 0.000000e+00 : f32
      %broadcast_in_dim3A_204 = vector.broadcast %jit3A : f32 to vector<256x256xf32>
      %select_n3A = arith.select %and3A_78, %add3A_203, %broadcast_in_dim3A_204 : vector<256x256xi1>, vector<256x256xf32>
      %reduce_sum3A = vector.shape_cast %select_n3A : vector<256x256xf32> to vector<1x256x256xf32>
      %reduce_sum3A_205 = arith.constant dense<0.000000e+00> : vector<1xf32>
      %reduce_sum3A_206 = vector.multi_reduction <add>, %reduce_sum3A, %reduce_sum3A_205 [1, 2] : vector<1x256x256xf32> to vector<1xf32>
      %reduce_sum3A_207 = vector.shape_cast %reduce_sum3A_206 : vector<1xf32> to vector<1x1x1xf32>
      %reduce_sum3A_208 = vector.extract %reduce_sum3A_207[0, 0, 0] : f32 from vector<1x1x1xf32>
      %add3A_209 = arith.addf %scan3A_10, %reduce_sum3A_208 : f32
      %get3A_210 = arith.index_cast %scan3A_9 : i32 to index
      %get3A_211 = memref.load %arg0[%get3A_210] : memref<16xi32, #tpu.memory_space<smem>>
      %while3A = arith.constant 0 : i32
      %while3A_212 = arith.subi %get3A_211, %while3A : i32
      %while3A_213 = arith.addi %while3A, %while3A_212 : i32
      %while3A_214 = arith.constant 1 : i32
      %while3A_215 = arith.divsi %while3A_212, %while3A_214 : i32
      %while3A_216 = arith.muli %while3A_215, %while3A_214 : i32
      %while3A_217 = arith.addi %while3A, %while3A_216 : i32
      %while3A_218 = arith.constant 1 : i32
      %while3A_219 = scf.for %while3A_222 = %while3A to %while3A_217 step %while3A_218 iter_args(%while3A_223 = %add3A_209) -> (f32)  : i32 {
        %get3A_224 = arith.index_cast %scan3A_9 : i32 to index
        %get3A_225 = arith.index_cast %while3A_222 : i32 to index
        %get3A_226 = memref.load %arg1[%get3A_224, %get3A_225] : memref<16x16xi32, #tpu.memory_space<smem>>
        %mul3A_227 = arith.constant 256 : i32
        %mul3A_228 = arith.muli %get3A_226, %mul3A_227 : i32
        %broadcast_in_dim3A_229 = arith.constant 0.000000e+00 : f32
        %broadcast_in_dim3A_230 = vector.broadcast %broadcast_in_dim3A_229 : f32 to vector<256x256xf32>
        %get3A_231 = arith.constant 0 : index
        %get3A_232 = arith.index_cast %mul3A_228 : i32 to index
        %get3A_233 = vector.load %arg3[%get3A_231, %get3A_232] : memref<3x4096xf32, #tpu.memory_space<vmem>>, vector<1x256xf32>
        %sub3A_234 = vector.broadcast %get3A_233 : vector<1x256xf32> to vector<256x256xf32>
        %sub3A_235 = vector.broadcast %get3A_13 : vector<256x1xf32> to vector<256x256xf32>
        %sub3A_236 = arith.subf %sub3A_234, %sub3A_235 : vector<256x256xf32>
        %mul3A_237 = arith.constant 5.000000e-02 : f32
        %mul3A_238 = vector.broadcast %mul3A_237 : f32 to vector<256x256xf32>
        %mul3A_239 = arith.mulf %sub3A_236, %mul3A_238 : vector<256x256xf32>
        %round3A_240 = math.roundeven %mul3A_239 : vector<256x256xf32>
        %mul3A_241 = arith.constant 2.000000e+01 : f32
        %mul3A_242 = vector.broadcast %mul3A_241 : f32 to vector<256x256xf32>
        %mul3A_243 = arith.mulf %mul3A_242, %round3A_240 : vector<256x256xf32>
        %sub3A_244 = arith.subf %sub3A_236, %mul3A_243 : vector<256x256xf32>
        %mul3A_245 = arith.mulf %sub3A_244, %sub3A_244 : vector<256x256xf32>
        %add3A_246 = arith.addf %broadcast_in_dim3A_230, %mul3A_245 : vector<256x256xf32>
        %get3A_247 = arith.constant 1 : index
        %get3A_248 = arith.index_cast %mul3A_228 : i32 to index
        %get3A_249 = vector.load %arg3[%get3A_247, %get3A_248] : memref<3x4096xf32, #tpu.memory_space<vmem>>, vector<1x256xf32>
        %sub3A_250 = vector.broadcast %get3A_249 : vector<1x256xf32> to vector<256x256xf32>
        %sub3A_251 = vector.broadcast %get3A_18 : vector<256x1xf32> to vector<256x256xf32>
        %sub3A_252 = arith.subf %sub3A_250, %sub3A_251 : vector<256x256xf32>
        %mul3A_253 = arith.constant 5.000000e-02 : f32
        %mul3A_254 = vector.broadcast %mul3A_253 : f32 to vector<256x256xf32>
        %mul3A_255 = arith.mulf %sub3A_252, %mul3A_254 : vector<256x256xf32>
        %round3A_256 = math.roundeven %mul3A_255 : vector<256x256xf32>
        %mul3A_257 = arith.constant 2.000000e+01 : f32
        %mul3A_258 = vector.broadcast %mul3A_257 : f32 to vector<256x256xf32>
        %mul3A_259 = arith.mulf %mul3A_258, %round3A_256 : vector<256x256xf32>
        %sub3A_260 = arith.subf %sub3A_252, %mul3A_259 : vector<256x256xf32>
        %mul3A_261 = arith.mulf %sub3A_260, %sub3A_260 : vector<256x256xf32>
        %add3A_262 = arith.addf %add3A_246, %mul3A_261 : vector<256x256xf32>
        %get3A_263 = arith.constant 2 : index
        %get3A_264 = arith.index_cast %mul3A_228 : i32 to index
        %get3A_265 = vector.load %arg3[%get3A_263, %get3A_264] : memref<3x4096xf32, #tpu.memory_space<vmem>>, vector<1x256xf32>
        %sub3A_266 = vector.broadcast %get3A_265 : vector<1x256xf32> to vector<256x256xf32>
        %sub3A_267 = vector.broadcast %get3A_23 : vector<256x1xf32> to vector<256x256xf32>
        %sub3A_268 = arith.subf %sub3A_266, %sub3A_267 : vector<256x256xf32>
        %mul3A_269 = arith.constant 5.000000e-02 : f32
        %mul3A_270 = vector.broadcast %mul3A_269 : f32 to vector<256x256xf32>
        %mul3A_271 = arith.mulf %sub3A_268, %mul3A_270 : vector<256x256xf32>
        %round3A_272 = math.roundeven %mul3A_271 : vector<256x256xf32>
        %mul3A_273 = arith.constant 2.000000e+01 : f32
        %mul3A_274 = vector.broadcast %mul3A_273 : f32 to vector<256x256xf32>
        %mul3A_275 = arith.mulf %mul3A_274, %round3A_272 : vector<256x256xf32>
        %sub3A_276 = arith.subf %sub3A_268, %mul3A_275 : vector<256x256xf32>
        %mul3A_277 = arith.mulf %sub3A_276, %sub3A_276 : vector<256x256xf32>
        %add3A_278 = arith.addf %add3A_262, %mul3A_277 : vector<256x256xf32>
        %lt3A_279 = arith.constant 6.250000e+00 : f32
        %lt3A_280 = vector.broadcast %lt3A_279 : f32 to vector<256x256xf32>
        %lt3A_281 = arith.cmpf olt, %add3A_278, %lt3A_280 : vector<256x256xf32>
        %gt3A_282 = arith.constant 0.000000e+00 : f32
        %gt3A_283 = vector.broadcast %gt3A_282 : f32 to vector<256x256xf32>
        %gt3A_284 = arith.cmpf ogt, %add3A_278, %gt3A_283 : vector<256x256xf32>
        %and3A_285 = arith.andi %lt3A_281, %gt3A_284 : vector<256x256xi1>
        %sqrt3A_286 = math.sqrt %add3A_278 : vector<256x256xf32>
        %mul3A_287 = arith.constant 8.000000e-01 : f32
        %mul3A_288 = vector.broadcast %mul3A_287 : f32 to vector<256x256xf32>
        %mul3A_289 = arith.mulf %mul3A_288, %sqrt3A_286 : vector<256x256xf32>
        %sub3A_290 = arith.constant 1.000000e+00 : f32
        %sub3A_291 = vector.broadcast %sub3A_290 : f32 to vector<256x256xf32>
        %sub3A_292 = arith.subf %mul3A_289, %sub3A_291 : vector<256x256xf32>
        %mul3A_293 = arith.constant 4.000000e+00 : f32
        %mul3A_294 = vector.broadcast %mul3A_293 : f32 to vector<256x256xf32>
        %mul3A_295 = arith.mulf %mul3A_294, %sub3A_292 : vector<256x256xf32>
        %mul3A_296 = arith.mulf %mul3A_295, %sub3A_292 : vector<256x256xf32>
        %sub3A_297 = arith.constant 2.000000e+00 : f32
        %sub3A_298 = vector.broadcast %sub3A_297 : f32 to vector<256x256xf32>
        %sub3A_299 = arith.subf %mul3A_296, %sub3A_298 : vector<256x256xf32>
        %broadcast_in_dim3A_300 = arith.constant 0.000000e+00 : f32
        %broadcast_in_dim3A_301 = vector.broadcast %broadcast_in_dim3A_300 : f32 to vector<256x256xf32>
        %broadcast_in_dim3A_302 = arith.constant 0.000000e+00 : f32
        %broadcast_in_dim3A_303 = vector.broadcast %broadcast_in_dim3A_302 : f32 to vector<256x256xf32>
        %broadcast_in_dim3A_304 = arith.constant 0.000000e+00 : f32
        %broadcast_in_dim3A_305 = vector.broadcast %broadcast_in_dim3A_304 : f32 to vector<256x256xf32>
        %broadcast_in_dim3A_306 = arith.constant 0.000000e+00 : f32
        %broadcast_in_dim3A_307 = vector.broadcast %broadcast_in_dim3A_306 : f32 to vector<256x256xf32>
        %get3A_308 = arith.constant 7 : index
        %get3A_309 = memref.load %arg4[%get3A_308] : memref<16xf32, #tpu.memory_space<smem>>
        %mul3A_310 = arith.mulf %sub3A_299, %broadcast_in_dim3A_301 : vector<256x256xf32>
        %add3A_311 = vector.broadcast %get3A_309 : f32 to vector<256x256xf32>
        %add3A_312 = arith.addf %add3A_311, %mul3A_310 : vector<256x256xf32>
        %sub3A_313 = arith.subf %add3A_312, %broadcast_in_dim3A_303 : vector<256x256xf32>
        %get3A_314 = arith.constant 15 : index
        %get3A_315 = memref.load %arg4[%get3A_314] : memref<16xf32, #tpu.memory_space<smem>>
        %mul3A_316 = arith.mulf %sub3A_299, %broadcast_in_dim3A_305 : vector<256x256xf32>
        %add3A_317 = vector.broadcast %get3A_315 : f32 to vector<256x256xf32>
        %add3A_318 = arith.addf %add3A_317, %mul3A_316 : vector<256x256xf32>
        %sub3A_319 = arith.subf %add3A_318, %broadcast_in_dim3A_307 : vector<256x256xf32>
        %get3A_320 = arith.constant 6 : index
        %get3A_321 = memref.load %arg4[%get3A_320] : memref<16xf32, #tpu.memory_space<smem>>
        %mul3A_322 = arith.mulf %sub3A_299, %sub3A_313 : vector<256x256xf32>
        %add3A_323 = vector.broadcast %get3A_321 : f32 to vector<256x256xf32>
        %add3A_324 = arith.addf %add3A_323, %mul3A_322 : vector<256x256xf32>
        %sub3A_325 = arith.subf %add3A_324, %broadcast_in_dim3A_301 : vector<256x256xf32>
        %get3A_326 = arith.constant 14 : index
        %get3A_327 = memref.load %arg4[%get3A_326] : memref<16xf32, #tpu.memory_space<smem>>
        %mul3A_328 = arith.mulf %sub3A_299, %sub3A_319 : vector<256x256xf32>
        %add3A_329 = vector.broadcast %get3A_327 : f32 to vector<256x256xf32>
        %add3A_330 = arith.addf %add3A_329, %mul3A_328 : vector<256x256xf32>
        %sub3A_331 = arith.subf %add3A_330, %broadcast_in_dim3A_305 : vector<256x256xf32>
        %get3A_332 = arith.constant 5 : index
        %get3A_333 = memref.load %arg4[%get3A_332] : memref<16xf32, #tpu.memory_space<smem>>
        %mul3A_334 = arith.mulf %sub3A_299, %sub3A_325 : vector<256x256xf32>
        %add3A_335 = vector.broadcast %get3A_333 : f32 to vector<256x256xf32>
        %add3A_336 = arith.addf %add3A_335, %mul3A_334 : vector<256x256xf32>
        %sub3A_337 = arith.subf %add3A_336, %sub3A_313 : vector<256x256xf32>
        %get3A_338 = arith.constant 13 : index
        %get3A_339 = memref.load %arg4[%get3A_338] : memref<16xf32, #tpu.memory_space<smem>>
        %mul3A_340 = arith.mulf %sub3A_299, %sub3A_331 : vector<256x256xf32>
        %add3A_341 = vector.broadcast %get3A_339 : f32 to vector<256x256xf32>
        %add3A_342 = arith.addf %add3A_341, %mul3A_340 : vector<256x256xf32>
        %sub3A_343 = arith.subf %add3A_342, %sub3A_319 : vector<256x256xf32>
        %get3A_344 = arith.constant 4 : index
        %get3A_345 = memref.load %arg4[%get3A_344] : memref<16xf32, #tpu.memory_space<smem>>
        %mul3A_346 = arith.mulf %sub3A_299, %sub3A_337 : vector<256x256xf32>
        %add3A_347 = vector.broadcast %get3A_345 : f32 to vector<256x256xf32>
        %add3A_348 = arith.addf %add3A_347, %mul3A_346 : vector<256x256xf32>
        %sub3A_349 = arith.subf %add3A_348, %sub3A_325 : vector<256x256xf32>
        %get3A_350 = arith.constant 12 : index
        %get3A_351 = memref.load %arg4[%get3A_350] : memref<16xf32, #tpu.memory_space<smem>>
        %mul3A_352 = arith.mulf %sub3A_299, %sub3A_343 : vector<256x256xf32>
        %add3A_353 = vector.broadcast %get3A_351 : f32 to vector<256x256xf32>
        %add3A_354 = arith.addf %add3A_353, %mul3A_352 : vector<256x256xf32>
        %sub3A_355 = arith.subf %add3A_354, %sub3A_331 : vector<256x256xf32>
        %get3A_356 = arith.constant 3 : index
        %get3A_357 = memref.load %arg4[%get3A_356] : memref<16xf32, #tpu.memory_space<smem>>
        %mul3A_358 = arith.mulf %sub3A_299, %sub3A_349 : vector<256x256xf32>
        %add3A_359 = vector.broadcast %get3A_357 : f32 to vector<256x256xf32>
        %add3A_360 = arith.addf %add3A_359, %mul3A_358 : vector<256x256xf32>
        %sub3A_361 = arith.subf %add3A_360, %sub3A_337 : vector<256x256xf32>
        %get3A_362 = arith.constant 11 : index
        %get3A_363 = memref.load %arg4[%get3A_362] : memref<16xf32, #tpu.memory_space<smem>>
        %mul3A_364 = arith.mulf %sub3A_299, %sub3A_355 : vector<256x256xf32>
        %add3A_365 = vector.broadcast %get3A_363 : f32 to vector<256x256xf32>
        %add3A_366 = arith.addf %add3A_365, %mul3A_364 : vector<256x256xf32>
        %sub3A_367 = arith.subf %add3A_366, %sub3A_343 : vector<256x256xf32>
        %get3A_368 = arith.constant 2 : index
        %get3A_369 = memref.load %arg4[%get3A_368] : memref<16xf32, #tpu.memory_space<smem>>
        %mul3A_370 = arith.mulf %sub3A_299, %sub3A_361 : vector<256x256xf32>
        %add3A_371 = vector.broadcast %get3A_369 : f32 to vector<256x256xf32>
        %add3A_372 = arith.addf %add3A_371, %mul3A_370 : vector<256x256xf32>
        %sub3A_373 = arith.subf %add3A_372, %sub3A_349 : vector<256x256xf32>
        %get3A_374 = arith.constant 10 : index
        %get3A_375 = memref.load %arg4[%get3A_374] : memref<16xf32, #tpu.memory_space<smem>>
        %mul3A_376 = arith.mulf %sub3A_299, %sub3A_367 : vector<256x256xf32>
        %add3A_377 = vector.broadcast %get3A_375 : f32 to vector<256x256xf32>
        %add3A_378 = arith.addf %add3A_377, %mul3A_376 : vector<256x256xf32>
        %sub3A_379 = arith.subf %add3A_378, %sub3A_355 : vector<256x256xf32>
        %get3A_380 = arith.constant 1 : index
        %get3A_381 = memref.load %arg4[%get3A_380] : memref<16xf32, #tpu.memory_space<smem>>
        %mul3A_382 = arith.mulf %sub3A_299, %sub3A_373 : vector<256x256xf32>
        %add3A_383 = vector.broadcast %get3A_381 : f32 to vector<256x256xf32>
        %add3A_384 = arith.addf %add3A_383, %mul3A_382 : vector<256x256xf32>
        %sub3A_385 = arith.subf %add3A_384, %sub3A_361 : vector<256x256xf32>
        %get3A_386 = arith.constant 9 : index
        %get3A_387 = memref.load %arg4[%get3A_386] : memref<16xf32, #tpu.memory_space<smem>>
        %mul3A_388 = arith.mulf %sub3A_299, %sub3A_379 : vector<256x256xf32>
        %add3A_389 = vector.broadcast %get3A_387 : f32 to vector<256x256xf32>
        %add3A_390 = arith.addf %add3A_389, %mul3A_388 : vector<256x256xf32>
        %sub3A_391 = arith.subf %add3A_390, %sub3A_367 : vector<256x256xf32>
        %get3A_392 = arith.constant 0 : index
        %get3A_393 = memref.load %arg4[%get3A_392] : memref<16xf32, #tpu.memory_space<smem>>
        %mul3A_394 = arith.constant 5.000000e-01 : f32
        %mul3A_395 = vector.broadcast %mul3A_394 : f32 to vector<256x256xf32>
        %mul3A_396 = arith.mulf %mul3A_395, %sub3A_299 : vector<256x256xf32>
        %mul3A_397 = arith.mulf %mul3A_396, %sub3A_385 : vector<256x256xf32>
        %add3A_398 = vector.broadcast %get3A_393 : f32 to vector<256x256xf32>
        %add3A_399 = arith.addf %add3A_398, %mul3A_397 : vector<256x256xf32>
        %sub3A_400 = arith.subf %add3A_399, %sub3A_373 : vector<256x256xf32>
        %get3A_401 = arith.constant 8 : index
        %get3A_402 = memref.load %arg4[%get3A_401] : memref<16xf32, #tpu.memory_space<smem>>
        %mul3A_403 = arith.constant 5.000000e-01 : f32
        %mul3A_404 = vector.broadcast %mul3A_403 : f32 to vector<256x256xf32>
        %mul3A_405 = arith.mulf %mul3A_404, %sub3A_299 : vector<256x256xf32>
        %mul3A_406 = arith.mulf %mul3A_405, %sub3A_391 : vector<256x256xf32>
        %add3A_407 = vector.broadcast %get3A_402 : f32 to vector<256x256xf32>
        %add3A_408 = arith.addf %add3A_407, %mul3A_406 : vector<256x256xf32>
        %sub3A_409 = arith.subf %add3A_408, %sub3A_379 : vector<256x256xf32>
        %mul3A_410 = arith.mulf %sub3A_292, %sub3A_409 : vector<256x256xf32>
        %add3A_411 = arith.addf %sub3A_400, %mul3A_410 : vector<256x256xf32>
        %jit3A_412 = arith.constant 0.000000e+00 : f32
        %broadcast_in_dim3A_413 = vector.broadcast %jit3A_412 : f32 to vector<256x256xf32>
        %select_n3A_414 = arith.select %and3A_285, %add3A_411, %broadcast_in_dim3A_413 : vector<256x256xi1>, vector<256x256xf32>
        %reduce_sum3A_415 = vector.shape_cast %select_n3A_414 : vector<256x256xf32> to vector<1x256x256xf32>
        %reduce_sum3A_416 = arith.constant dense<0.000000e+00> : vector<1xf32>
        %reduce_sum3A_417 = vector.multi_reduction <add>, %reduce_sum3A_415, %reduce_sum3A_416 [1, 2] : vector<1x256x256xf32> to vector<1xf32>
        %reduce_sum3A_418 = vector.shape_cast %reduce_sum3A_417 : vector<1xf32> to vector<1x1x1xf32>
        %reduce_sum3A_419 = vector.extract %reduce_sum3A_418[0, 0, 0] : f32 from vector<1x1x1xf32>
        %add3A_420 = arith.addf %while3A_223, %reduce_sum3A_419 : f32
        scf.yield %add3A_420 : f32
      }
      %while3A_220 = arith.constant 1 : i32
      %while3A_221 = scf.for %while3A_222 = %while3A_217 to %while3A_213 step %while3A_220 iter_args(%while3A_223 = %while3A_219) -> (f32)  : i32 {
        %get3A_224 = arith.index_cast %scan3A_9 : i32 to index
        %get3A_225 = arith.index_cast %while3A_222 : i32 to index
        %get3A_226 = memref.load %arg1[%get3A_224, %get3A_225] : memref<16x16xi32, #tpu.memory_space<smem>>
        %mul3A_227 = arith.constant 256 : i32
        %mul3A_228 = arith.muli %get3A_226, %mul3A_227 : i32
        %broadcast_in_dim3A_229 = arith.constant 0.000000e+00 : f32
        %broadcast_in_dim3A_230 = vector.broadcast %broadcast_in_dim3A_229 : f32 to vector<256x256xf32>
        %get3A_231 = arith.constant 0 : index
        %get3A_232 = arith.index_cast %mul3A_228 : i32 to index
        %get3A_233 = vector.load %arg3[%get3A_231, %get3A_232] : memref<3x4096xf32, #tpu.memory_space<vmem>>, vector<1x256xf32>
        %sub3A_234 = vector.broadcast %get3A_233 : vector<1x256xf32> to vector<256x256xf32>
        %sub3A_235 = vector.broadcast %get3A_13 : vector<256x1xf32> to vector<256x256xf32>
        %sub3A_236 = arith.subf %sub3A_234, %sub3A_235 : vector<256x256xf32>
        %mul3A_237 = arith.constant 5.000000e-02 : f32
        %mul3A_238 = vector.broadcast %mul3A_237 : f32 to vector<256x256xf32>
        %mul3A_239 = arith.mulf %sub3A_236, %mul3A_238 : vector<256x256xf32>
        %round3A_240 = math.roundeven %mul3A_239 : vector<256x256xf32>
        %mul3A_241 = arith.constant 2.000000e+01 : f32
        %mul3A_242 = vector.broadcast %mul3A_241 : f32 to vector<256x256xf32>
        %mul3A_243 = arith.mulf %mul3A_242, %round3A_240 : vector<256x256xf32>
        %sub3A_244 = arith.subf %sub3A_236, %mul3A_243 : vector<256x256xf32>
        %mul3A_245 = arith.mulf %sub3A_244, %sub3A_244 : vector<256x256xf32>
        %add3A_246 = arith.addf %broadcast_in_dim3A_230, %mul3A_245 : vector<256x256xf32>
        %get3A_247 = arith.constant 1 : index
        %get3A_248 = arith.index_cast %mul3A_228 : i32 to index
        %get3A_249 = vector.load %arg3[%get3A_247, %get3A_248] : memref<3x4096xf32, #tpu.memory_space<vmem>>, vector<1x256xf32>
        %sub3A_250 = vector.broadcast %get3A_249 : vector<1x256xf32> to vector<256x256xf32>
        %sub3A_251 = vector.broadcast %get3A_18 : vector<256x1xf32> to vector<256x256xf32>
        %sub3A_252 = arith.subf %sub3A_250, %sub3A_251 : vector<256x256xf32>
        %mul3A_253 = arith.constant 5.000000e-02 : f32
        %mul3A_254 = vector.broadcast %mul3A_253 : f32 to vector<256x256xf32>
        %mul3A_255 = arith.mulf %sub3A_252, %mul3A_254 : vector<256x256xf32>
        %round3A_256 = math.roundeven %mul3A_255 : vector<256x256xf32>
        %mul3A_257 = arith.constant 2.000000e+01 : f32
        %mul3A_258 = vector.broadcast %mul3A_257 : f32 to vector<256x256xf32>
        %mul3A_259 = arith.mulf %mul3A_258, %round3A_256 : vector<256x256xf32>
        %sub3A_260 = arith.subf %sub3A_252, %mul3A_259 : vector<256x256xf32>
        %mul3A_261 = arith.mulf %sub3A_260, %sub3A_260 : vector<256x256xf32>
        %add3A_262 = arith.addf %add3A_246, %mul3A_261 : vector<256x256xf32>
        %get3A_263 = arith.constant 2 : index
        %get3A_264 = arith.index_cast %mul3A_228 : i32 to index
        %get3A_265 = vector.load %arg3[%get3A_263, %get3A_264] : memref<3x4096xf32, #tpu.memory_space<vmem>>, vector<1x256xf32>
        %sub3A_266 = vector.broadcast %get3A_265 : vector<1x256xf32> to vector<256x256xf32>
        %sub3A_267 = vector.broadcast %get3A_23 : vector<256x1xf32> to vector<256x256xf32>
        %sub3A_268 = arith.subf %sub3A_266, %sub3A_267 : vector<256x256xf32>
        %mul3A_269 = arith.constant 5.000000e-02 : f32
        %mul3A_270 = vector.broadcast %mul3A_269 : f32 to vector<256x256xf32>
        %mul3A_271 = arith.mulf %sub3A_268, %mul3A_270 : vector<256x256xf32>
        %round3A_272 = math.roundeven %mul3A_271 : vector<256x256xf32>
        %mul3A_273 = arith.constant 2.000000e+01 : f32
        %mul3A_274 = vector.broadcast %mul3A_273 : f32 to vector<256x256xf32>
        %mul3A_275 = arith.mulf %mul3A_274, %round3A_272 : vector<256x256xf32>
        %sub3A_276 = arith.subf %sub3A_268, %mul3A_275 : vector<256x256xf32>
        %mul3A_277 = arith.mulf %sub3A_276, %sub3A_276 : vector<256x256xf32>
        %add3A_278 = arith.addf %add3A_262, %mul3A_277 : vector<256x256xf32>
        %lt3A_279 = arith.constant 6.250000e+00 : f32
        %lt3A_280 = vector.broadcast %lt3A_279 : f32 to vector<256x256xf32>
        %lt3A_281 = arith.cmpf olt, %add3A_278, %lt3A_280 : vector<256x256xf32>
        %gt3A_282 = arith.constant 0.000000e+00 : f32
        %gt3A_283 = vector.broadcast %gt3A_282 : f32 to vector<256x256xf32>
        %gt3A_284 = arith.cmpf ogt, %add3A_278, %gt3A_283 : vector<256x256xf32>
        %and3A_285 = arith.andi %lt3A_281, %gt3A_284 : vector<256x256xi1>
        %sqrt3A_286 = math.sqrt %add3A_278 : vector<256x256xf32>
        %mul3A_287 = arith.constant 8.000000e-01 : f32
        %mul3A_288 = vector.broadcast %mul3A_287 : f32 to vector<256x256xf32>
        %mul3A_289 = arith.mulf %mul3A_288, %sqrt3A_286 : vector<256x256xf32>
        %sub3A_290 = arith.constant 1.000000e+00 : f32
        %sub3A_291 = vector.broadcast %sub3A_290 : f32 to vector<256x256xf32>
        %sub3A_292 = arith.subf %mul3A_289, %sub3A_291 : vector<256x256xf32>
        %mul3A_293 = arith.constant 4.000000e+00 : f32
        %mul3A_294 = vector.broadcast %mul3A_293 : f32 to vector<256x256xf32>
        %mul3A_295 = arith.mulf %mul3A_294, %sub3A_292 : vector<256x256xf32>
        %mul3A_296 = arith.mulf %mul3A_295, %sub3A_292 : vector<256x256xf32>
        %sub3A_297 = arith.constant 2.000000e+00 : f32
        %sub3A_298 = vector.broadcast %sub3A_297 : f32 to vector<256x256xf32>
        %sub3A_299 = arith.subf %mul3A_296, %sub3A_298 : vector<256x256xf32>
        %broadcast_in_dim3A_300 = arith.constant 0.000000e+00 : f32
        %broadcast_in_dim3A_301 = vector.broadcast %broadcast_in_dim3A_300 : f32 to vector<256x256xf32>
        %broadcast_in_dim3A_302 = arith.constant 0.000000e+00 : f32
        %broadcast_in_dim3A_303 = vector.broadcast %broadcast_in_dim3A_302 : f32 to vector<256x256xf32>
        %broadcast_in_dim3A_304 = arith.constant 0.000000e+00 : f32
        %broadcast_in_dim3A_305 = vector.broadcast %broadcast_in_dim3A_304 : f32 to vector<256x256xf32>
        %broadcast_in_dim3A_306 = arith.constant 0.000000e+00 : f32
        %broadcast_in_dim3A_307 = vector.broadcast %broadcast_in_dim3A_306 : f32 to vector<256x256xf32>
        %get3A_308 = arith.constant 7 : index
        %get3A_309 = memref.load %arg4[%get3A_308] : memref<16xf32, #tpu.memory_space<smem>>
        %mul3A_310 = arith.mulf %sub3A_299, %broadcast_in_dim3A_301 : vector<256x256xf32>
        %add3A_311 = vector.broadcast %get3A_309 : f32 to vector<256x256xf32>
        %add3A_312 = arith.addf %add3A_311, %mul3A_310 : vector<256x256xf32>
        %sub3A_313 = arith.subf %add3A_312, %broadcast_in_dim3A_303 : vector<256x256xf32>
        %get3A_314 = arith.constant 15 : index
        %get3A_315 = memref.load %arg4[%get3A_314] : memref<16xf32, #tpu.memory_space<smem>>
        %mul3A_316 = arith.mulf %sub3A_299, %broadcast_in_dim3A_305 : vector<256x256xf32>
        %add3A_317 = vector.broadcast %get3A_315 : f32 to vector<256x256xf32>
        %add3A_318 = arith.addf %add3A_317, %mul3A_316 : vector<256x256xf32>
        %sub3A_319 = arith.subf %add3A_318, %broadcast_in_dim3A_307 : vector<256x256xf32>
        %get3A_320 = arith.constant 6 : index
        %get3A_321 = memref.load %arg4[%get3A_320] : memref<16xf32, #tpu.memory_space<smem>>
        %mul3A_322 = arith.mulf %sub3A_299, %sub3A_313 : vector<256x256xf32>
        %add3A_323 = vector.broadcast %get3A_321 : f32 to vector<256x256xf32>
        %add3A_324 = arith.addf %add3A_323, %mul3A_322 : vector<256x256xf32>
        %sub3A_325 = arith.subf %add3A_324, %broadcast_in_dim3A_301 : vector<256x256xf32>
        %get3A_326 = arith.constant 14 : index
        %get3A_327 = memref.load %arg4[%get3A_326] : memref<16xf32, #tpu.memory_space<smem>>
        %mul3A_328 = arith.mulf %sub3A_299, %sub3A_319 : vector<256x256xf32>
        %add3A_329 = vector.broadcast %get3A_327 : f32 to vector<256x256xf32>
        %add3A_330 = arith.addf %add3A_329, %mul3A_328 : vector<256x256xf32>
        %sub3A_331 = arith.subf %add3A_330, %broadcast_in_dim3A_305 : vector<256x256xf32>
        %get3A_332 = arith.constant 5 : index
        %get3A_333 = memref.load %arg4[%get3A_332] : memref<16xf32, #tpu.memory_space<smem>>
        %mul3A_334 = arith.mulf %sub3A_299, %sub3A_325 : vector<256x256xf32>
        %add3A_335 = vector.broadcast %get3A_333 : f32 to vector<256x256xf32>
        %add3A_336 = arith.addf %add3A_335, %mul3A_334 : vector<256x256xf32>
        %sub3A_337 = arith.subf %add3A_336, %sub3A_313 : vector<256x256xf32>
        %get3A_338 = arith.constant 13 : index
        %get3A_339 = memref.load %arg4[%get3A_338] : memref<16xf32, #tpu.memory_space<smem>>
        %mul3A_340 = arith.mulf %sub3A_299, %sub3A_331 : vector<256x256xf32>
        %add3A_341 = vector.broadcast %get3A_339 : f32 to vector<256x256xf32>
        %add3A_342 = arith.addf %add3A_341, %mul3A_340 : vector<256x256xf32>
        %sub3A_343 = arith.subf %add3A_342, %sub3A_319 : vector<256x256xf32>
        %get3A_344 = arith.constant 4 : index
        %get3A_345 = memref.load %arg4[%get3A_344] : memref<16xf32, #tpu.memory_space<smem>>
        %mul3A_346 = arith.mulf %sub3A_299, %sub3A_337 : vector<256x256xf32>
        %add3A_347 = vector.broadcast %get3A_345 : f32 to vector<256x256xf32>
        %add3A_348 = arith.addf %add3A_347, %mul3A_346 : vector<256x256xf32>
        %sub3A_349 = arith.subf %add3A_348, %sub3A_325 : vector<256x256xf32>
        %get3A_350 = arith.constant 12 : index
        %get3A_351 = memref.load %arg4[%get3A_350] : memref<16xf32, #tpu.memory_space<smem>>
        %mul3A_352 = arith.mulf %sub3A_299, %sub3A_343 : vector<256x256xf32>
        %add3A_353 = vector.broadcast %get3A_351 : f32 to vector<256x256xf32>
        %add3A_354 = arith.addf %add3A_353, %mul3A_352 : vector<256x256xf32>
        %sub3A_355 = arith.subf %add3A_354, %sub3A_331 : vector<256x256xf32>
        %get3A_356 = arith.constant 3 : index
        %get3A_357 = memref.load %arg4[%get3A_356] : memref<16xf32, #tpu.memory_space<smem>>
        %mul3A_358 = arith.mulf %sub3A_299, %sub3A_349 : vector<256x256xf32>
        %add3A_359 = vector.broadcast %get3A_357 : f32 to vector<256x256xf32>
        %add3A_360 = arith.addf %add3A_359, %mul3A_358 : vector<256x256xf32>
        %sub3A_361 = arith.subf %add3A_360, %sub3A_337 : vector<256x256xf32>
        %get3A_362 = arith.constant 11 : index
        %get3A_363 = memref.load %arg4[%get3A_362] : memref<16xf32, #tpu.memory_space<smem>>
        %mul3A_364 = arith.mulf %sub3A_299, %sub3A_355 : vector<256x256xf32>
        %add3A_365 = vector.broadcast %get3A_363 : f32 to vector<256x256xf32>
        %add3A_366 = arith.addf %add3A_365, %mul3A_364 : vector<256x256xf32>
        %sub3A_367 = arith.subf %add3A_366, %sub3A_343 : vector<256x256xf32>
        %get3A_368 = arith.constant 2 : index
        %get3A_369 = memref.load %arg4[%get3A_368] : memref<16xf32, #tpu.memory_space<smem>>
        %mul3A_370 = arith.mulf %sub3A_299, %sub3A_361 : vector<256x256xf32>
        %add3A_371 = vector.broadcast %get3A_369 : f32 to vector<256x256xf32>
        %add3A_372 = arith.addf %add3A_371, %mul3A_370 : vector<256x256xf32>
        %sub3A_373 = arith.subf %add3A_372, %sub3A_349 : vector<256x256xf32>
        %get3A_374 = arith.constant 10 : index
        %get3A_375 = memref.load %arg4[%get3A_374] : memref<16xf32, #tpu.memory_space<smem>>
        %mul3A_376 = arith.mulf %sub3A_299, %sub3A_367 : vector<256x256xf32>
        %add3A_377 = vector.broadcast %get3A_375 : f32 to vector<256x256xf32>
        %add3A_378 = arith.addf %add3A_377, %mul3A_376 : vector<256x256xf32>
        %sub3A_379 = arith.subf %add3A_378, %sub3A_355 : vector<256x256xf32>
        %get3A_380 = arith.constant 1 : index
        %get3A_381 = memref.load %arg4[%get3A_380] : memref<16xf32, #tpu.memory_space<smem>>
        %mul3A_382 = arith.mulf %sub3A_299, %sub3A_373 : vector<256x256xf32>
        %add3A_383 = vector.broadcast %get3A_381 : f32 to vector<256x256xf32>
        %add3A_384 = arith.addf %add3A_383, %mul3A_382 : vector<256x256xf32>
        %sub3A_385 = arith.subf %add3A_384, %sub3A_361 : vector<256x256xf32>
        %get3A_386 = arith.constant 9 : index
        %get3A_387 = memref.load %arg4[%get3A_386] : memref<16xf32, #tpu.memory_space<smem>>
        %mul3A_388 = arith.mulf %sub3A_299, %sub3A_379 : vector<256x256xf32>
        %add3A_389 = vector.broadcast %get3A_387 : f32 to vector<256x256xf32>
        %add3A_390 = arith.addf %add3A_389, %mul3A_388 : vector<256x256xf32>
        %sub3A_391 = arith.subf %add3A_390, %sub3A_367 : vector<256x256xf32>
        %get3A_392 = arith.constant 0 : index
        %get3A_393 = memref.load %arg4[%get3A_392] : memref<16xf32, #tpu.memory_space<smem>>
        %mul3A_394 = arith.constant 5.000000e-01 : f32
        %mul3A_395 = vector.broadcast %mul3A_394 : f32 to vector<256x256xf32>
        %mul3A_396 = arith.mulf %mul3A_395, %sub3A_299 : vector<256x256xf32>
        %mul3A_397 = arith.mulf %mul3A_396, %sub3A_385 : vector<256x256xf32>
        %add3A_398 = vector.broadcast %get3A_393 : f32 to vector<256x256xf32>
        %add3A_399 = arith.addf %add3A_398, %mul3A_397 : vector<256x256xf32>
        %sub3A_400 = arith.subf %add3A_399, %sub3A_373 : vector<256x256xf32>
        %get3A_401 = arith.constant 8 : index
        %get3A_402 = memref.load %arg4[%get3A_401] : memref<16xf32, #tpu.memory_space<smem>>
        %mul3A_403 = arith.constant 5.000000e-01 : f32
        %mul3A_404 = vector.broadcast %mul3A_403 : f32 to vector<256x256xf32>
        %mul3A_405 = arith.mulf %mul3A_404, %sub3A_299 : vector<256x256xf32>
        %mul3A_406 = arith.mulf %mul3A_405, %sub3A_391 : vector<256x256xf32>
        %add3A_407 = vector.broadcast %get3A_402 : f32 to vector<256x256xf32>
        %add3A_408 = arith.addf %add3A_407, %mul3A_406 : vector<256x256xf32>
        %sub3A_409 = arith.subf %add3A_408, %sub3A_379 : vector<256x256xf32>
        %mul3A_410 = arith.mulf %sub3A_292, %sub3A_409 : vector<256x256xf32>
        %add3A_411 = arith.addf %sub3A_400, %mul3A_410 : vector<256x256xf32>
        %jit3A_412 = arith.constant 0.000000e+00 : f32
        %broadcast_in_dim3A_413 = vector.broadcast %jit3A_412 : f32 to vector<256x256xf32>
        %select_n3A_414 = arith.select %and3A_285, %add3A_411, %broadcast_in_dim3A_413 : vector<256x256xi1>, vector<256x256xf32>
        %reduce_sum3A_415 = vector.shape_cast %select_n3A_414 : vector<256x256xf32> to vector<1x256x256xf32>
        %reduce_sum3A_416 = arith.constant dense<0.000000e+00> : vector<1xf32>
        %reduce_sum3A_417 = vector.multi_reduction <add>, %reduce_sum3A_415, %reduce_sum3A_416 [1, 2] : vector<1x256x256xf32> to vector<1xf32>
        %reduce_sum3A_418 = vector.shape_cast %reduce_sum3A_417 : vector<1xf32> to vector<1x1x1xf32>
        %reduce_sum3A_419 = vector.extract %reduce_sum3A_418[0, 0, 0] : f32 from vector<1x1x1xf32>
        %add3A_420 = arith.addf %while3A_223, %reduce_sum3A_419 : f32
        scf.yield %add3A_420 : f32
      }
      scf.yield %while3A_221 : f32
    }
    %scan3A_6 = arith.constant 16 : i32
    %add3A = arith.addf %scan3A_5, %scan3A_5 : f32
    %swap3A = arith.constant 0 : index
    %swap3A_7 = arith.constant 0 : index
    %swap3A_8 = memref.load %arg5[%swap3A, %swap3A_7] : memref<1x1xf32, #tpu.memory_space<smem>>
    memref.store %add3A, %arg5[%swap3A, %swap3A_7] : memref<1x1xf32, #tpu.memory_space<smem>>
    return
  }
}

</mosaic_0001>

<sc_bundles>
// kernel: gather_offload_async_start
scs
__scs_entry_jumppad:
0x0: {  	(pc) =	sbr.rel $0x88, $3  }
0x1: {  	(tag) =	ssettag $0x0;
	lr =	simm.s32 $0x1  }
0x2: {  	[smem:$0x3F9C] =	sst lr;
	_ =	strace $0xD0000000  }
0x3: {  	_ = 	snop  }
0x4: {  	_ = 	snop  }
0x5: {  	_ = 	snop  }
0x6: {  	_ = 	snop  }
0x7: {  	_ = 	snop  }
__scs_overlays_trampoline_lowered:
0x8: {  	[smem:$0x3FAB] =	sst s0  }
0x9: {  	[smem:$0x3FAC] =	sst s1  }
0xa: {  	[smem:$0x3FAD] =	sst s2  }
0xb: {  	[smem:$0x3FAE] =	sst s3  }
0xc: {  	[smem:$0x3FAF] =	sst s4  }
0xd: {  	[smem:$0x3FB0] =	sst s5  }
0xe: {  	[smem:$0x3FB1] =	sst s6  }
0xf: {  	[smem:$0x3FB2] =	sst s7  }
0x10: {  	[smem:$0x3FB3] =	sst s8  }
0x11: {  	[smem:$0x3FB4] =	sst s9;
	s0 =	simm.s32 @!p0 $0x0  }
0x12: {  	s1 =	sld [smem:$0x3F9A];
	s0 =	simm.s32 @p0 $0x1  }
0x13: {  	[smem:$0x3FB5] =	sst s0;
	s0 =	simm.s32 @!p1 $0x0  }
0x14: {  	s2 =	sld [smem:$0x3F99];
	s0 =	simm.s32 @p1 $0x1  }
0x15: {  	[smem:$0x3FB6] =	sst s0;
	s0 =	simm.s32 @!p2 $0x0  }
0x16: {  	s3 =	sld [smem:$0x3FDB];
	s0 =	simm.s32 @p2 $0x1  }
0x17: {  	s4 =	simm.s32 $0x1BF5;
	[smem:$0x3FB8] =	sst s0  }
0x18: {  	s0 =	sld [smem:$0x3F9B];
	_ =	swait.ge [sflag:s4], $0x0  }
0x19: {  	s7 =	sld [smem:$0x3F9C]  }
0x1a: {  	s8 =	sadd.s32 $0xFFFFE003, lr  }
0x1b: {  	s9 =	sadd.s32 $0xFFFFFEF7, lr;
	s5 =	simm.s32 $0xFFFFFFFF;
	p2 =	slt.u32 s8, $0xFFFFF086  }
0x1c: {  	p1 =	slt.u32 s9, $0xF7A;
	s5 =	simm.s32 @!p2 $0x0  }
0x1d: {  	s5 =	simm.s32 @p1 $0x1;
	p0 =	seq.s32 s7, s2  }
0x1e: {  	s7 =	smul.u32 @!p0 $0xF7A, s2;
	p2 =	seq.s32 @!p0 s5, $0x0  }
0x1f: {  	s9 =	smul.u32 $0xF7A, s1;
	s8 =	simm.s32 @!p0 $0x1BF5;
	p2 =	por !p2, p0  }
0x20: {  	[sflag:s8] =	ssyncset.s32 @!p0 $0xFFFFF086;
	s6 =	sadd.s32 @!p0 s3, s7;
	s7 =	simm.s32 @!p0 $0x108  }
0x21: {  	s3 =	sadd.s32 s3, s9;
	s6 =	sadd.s32 @!p0 $0x88, s6;
	s7 =	simm.s32 @p2 $0x1082  }
0x22: {  	[simem:s7], [sflag:s8] =	dma.local @!p0 [hbm:s6], $0xF7A  }
0x23: {  	s9 =	sor.u32 $0xD0000000, s2;
	s6 =	simm.s32 $0x108;
	_ =	swait.ge @!p0 [sflag:s8], $0x0  }
0x24: {  	s3 =	sadd.s32 $0x88, s3;
	s6 =	simm.s32 @!p1 $0x1082;
	[sflag:s4] =	ssyncset.s32 $0xFFFFF086  }
0x25: {  	[simem:s6], [sflag:s4] =	dma.local [hbm:s3], $0xF7A  }
0x26: {  	[smem:$0x3F9C] =	sst s1;
	(tag) =	ssettag s2;
	_ =	strace s9  }
0x27: {  	s1 =	sld [smem:$0x3FAC]  }
0x28: {  	s2 =	sld [smem:$0x3FAD]  }
0x29: {  	s4 =	sld [smem:$0x3FAF]  }
0x2a: {  	p0 =	seq.s32 s5, $0x0;
	s5 =	sld [smem:$0x3FB0]  }
0x2b: {  	s6 =	sld [smem:$0x3FB1]  }
0x2c: {  	s7 =	sld [smem:$0x3FB2]  }
0x2d: {  	s3 =	simm.s32 $0x108;
	s8 =	sld [smem:$0x3FB3]  }
0x2e: {  	s3 =	simm.s32 @!p0 $0x1082;
	s9 =	sld [smem:$0x3FB4]  }
0x2f: {  	lr =	sadd.s32 s0, s3;
	s0 =	sld [smem:$0x3FAB]  }
0x30: {  	s3 =	sld [smem:$0x3FAE]  }
0x31: {  	[smem:$0x3FB7] =	sst s10  }
0x32: {  	s10 =	sld [smem:$0x3FB5];
	_ =	sdelay $0x3  }
0x33: {  	p0 =	seq.s32 s10, $0x1;
	s10 =	sld [smem:$0x3FB7];
	_ =	sdelay $0x3  }
0x34: {  	[smem:$0x3FB7] =	sst s10  }
0x35: {  	s10 =	sld [smem:$0x3FB6];
	_ =	sdelay $0x3  }
0x36: {  	p1 =	seq.s32 s10, $0x1;
	s10 =	sld [smem:$0x3FB7];
	_ =	sdelay $0x3  }
0x37: {  	[smem:$0x3FB7] =	sst s10  }
0x38: {  	s10 =	sld [smem:$0x3FB8]  }
0x39: {  	_ = 	snop;
	(pc) =	sbr.ind lr, $3  }
0x3a: {  	_ = 	snop  }
0x3b: {  	_ = 	snop  }
0x3c: {  	p2 =	seq.s32 s10, $0x1;
	s10 =	sld [smem:$0x3FB7]  }
0x3d: {  	_ =	shalt  }
0x3e: {  	_ =	shalt  }
0x3f: {  	_ =	shalt  }
0x40: {  	_ =	shalt  }
0x41: {  	_ =	shalt  }
0x42: {  	_ =	shalt  }
0x43: {  	_ =	shalt  }
0x44: {  	_ =	shalt  }
0x45: {  	_ =	shalt  }
0x46: {  	_ =	shalt  }
0x47: {  	_ =	shalt  }
0x48: {  	_ =	shalt  }
0x49: {  	_ =	shalt  }
0x4a: {  	_ =	shalt  }
0x4b: {  	_ =	shalt  }
0x4c: {  	_ =	shalt  }
0x4d: {  	_ =	shalt  }
0x4e: {  	_ =	shalt  }
0x4f: {  	_ =	shalt  }
0x50: {  	_ =	shalt  }
0x51: {  	_ =	shalt  }
0x52: {  	_ =	shalt  }
0x53: {  	_ =	shalt  }
0x54: {  	_ =	shalt  }
0x55: {  	_ =	shalt  }
0x56: {  	_ =	shalt  }
0x57: {  	_ =	shalt  }
0x58: {  	_ =	shalt  }
0x59: {  	_ =	shalt  }
0x5a: {  	_ =	shalt  }
0x5b: {  	_ =	shalt  }
0x5c: {  	_ =	shalt  }
0x5d: {  	_ =	shalt  }
0x5e: {  	_ =	shalt  }
0x5f: {  	_ =	shalt  }
0x60: {  	_ =	shalt  }
0x61: {  	_ =	shalt  }
0x62: {  	_ =	shalt  }
0x63: {  	_ =	shalt  }
0x64: {  	_ =	shalt  }
0x65: {  	_ =	shalt  }
0x66: {  	_ =	shalt  }
0x67: {  	_ =	shalt  }
0x68: {  	_ =	shalt  }
0x69: {  	_ =	shalt  }
0x6a: {  	_ =	shalt  }
0x6b: {  	_ =	shalt  }
0x6c: {  	_ =	shalt  }
0x6d: {  	_ =	shalt  }
0x6e: {  	_ =	shalt  }
0x6f: {  	_ =	shalt  }
0x70: {  	_ =	shalt  }
0x71: {  	_ =	shalt  }
0x72: {  	_ =	shalt  }
0x73: {  	_ =	shalt  }
0x74: {  	_ =	shalt  }
0x75: {  	_ =	shalt  }
0x76: {  	_ =	shalt  }
0x77: {  	_ =	shalt  }
0x78: {  	_ =	shalt  }
0x79: {  	_ =	shalt  }
0x7a: {  	_ =	shalt  }
0x7b: {  	_ =	shalt  }
0x7c: {  	_ =	shalt  }
0x7d: {  	_ =	shalt  }
0x7e: {  	_ =	shalt  }
0x7f: {  	_ =	shalt  }
0x80: {  	_ =	shalt  }
0x81: {  	_ =	shalt  }
0x82: {  	_ =	shalt  }
0x83: {  	_ =	shalt  }
0x84: {  	_ =	shalt  }
0x85: {  	_ =	shalt  }
0x86: {  	_ =	shalt  }
0x87: {  	_ =	shalt  }
.Lfunc_end0:
.L_simem_size_0:
called_computation_lowered:
.L_overlay_start_0:
0x88: {  	s2 =	sld [smem:$0x3FD9]  }
0x89: {  	s3 =	sld [smem:$0x3FFE];
	_ =	sdelay $0x1  }
0x8a: {  	s1 =	srdreg.scid  }
0x8b: {  	s0 =	sand.u32 $0x1, s1  }
0x8c: {  	s16 =	sshll.u32 s0, $0xA;
	s2 =	sadd.s32 s3, s2  }
0x8d: {  	s2 =	sadd.s32 s2, s16  }
0x8e: {  	[smem:$0x3FC3] =	sst s2  }
0x8f: {  	_ = 	snop  }
0x90: {  	(tm) =	ssettm $0x1  }
0x91: {  	s17 =	sld [smem:$0x3FFB];
	_ =	sdelay $0x3  }
0x92: {  	_ =	strace s17  }
0x93: {  	s2 =	sld [smem:$0x3FFC];
	_ =	sdelay $0x3  }
0x94: {  	_ =	strace s2  }
0x95: {  	s2 =	sld [smem:$0x3FFD];
	_ =	sdelay $0x3  }
0x96: {  	_ =	strace s2  }
0x97: {  	_ =	strace $0x8FFFFFFF  }
0x98: {  	s18 =	sld [smem:$0x3FDB];
	_ =	sdelay $0x1  }
0x99: {  	s19 =	simm.s32 $_scs_section_size  }
0x9a: {  	s4 =	simm.s32 $_size__tile_overlayer_lowered;
	s5 =	simm.s32 $_tile_overlayer_lowered  }
0x9b: {  	s22 =	simm.s32 $0x1BFF;
	s21 =	sshll.u32 s5, $0x1;
	s2 =	sadd.s32 s19, s18  }
0x9c: {  	s6 =	simm.s32 $0x0;
	s20 =	sshll.u32 s4, $0x1;
	s4 =	sadd.s32 s21, s2  }
0x9d: {  	[timem:s6], [sflag:s22] =	dma.local [hbm:s4], s20  }
0x9e: {  	_ =	swait.ge [sflag:s22], s20  }
0x9f: {  	s3 =	ssub.s32 $0x0, s20;
	[sflag:s22] =	ssyncset.done $0x0  }
0xa0: {  	[sflag:s22] =	ssyncadd.s32 s3;
	_ =	sdelay $0x1  }
0xa1: {  	s23 =	simm.s32 $0x1B8B  }
0xa2: {  	_ =	swait.ge [sflag:s23], $0x1  }
0xa3: {  	[sflag:s23] =	ssyncset.done $0x0  }
0xa4: {  	s25 =	simm.s32 $0x1B8E;
	s24 =	sld [smem:$0x3FFE];
	[sflag:s23] =	ssyncadd.s32 $0xFFFFFFFF  }
0xa5: {  	s26 =	simm.s32 $execute0_lowered;
	[smem:$0x3FD2] =	sst s25  }
0xa6: {  	s4 =	sshll.u32 s26, $0x1;
	_ =	strace $0x80000046;
	[dreg:$0x1] =	wrdreg $0xFFFFFFFF  }
0xa7: {  	s28 =	simm.s32 $_size_execute0_lowered;
	s2 =	sadd.s32 s2, s4;
	[dreg:$0x0] =	wrdreg $0x0  }
0xa8: {  	s4 =	sshll.u32 s28, $0x1;
	[dreg:$0x2] =	wrdreg s2  }
0xa9: {  	[dreg:$0x3] =	wrdreg s4  }
0xaa: {  	[dreg:$0x4] =	wrdreg $0xC0  }
0xab: {  	_ =	task [dreg:s6], $0x5FFFF  }
0xac: {  	[dreg:$0x1] =	wrdreg $0xFFFFFFFF  }
0xad: {  	[dreg:$0x0] =	wrdreg $0x60  }
0xae: {  	[dreg:$0x2] =	wrdreg s24  }
0xaf: {  	[dreg:$0x3] =	wrdreg $0x9  }
0xb0: {  	_ =	task.clear_ibuf [dreg:s6], $0x4FFFF;
	_ =	strace $0x90000046  }
0xb1: {  	s29 =	simm.s32 $0x9;
	_ =	strace $0x80000048  }
0xb2: {  	_ =	swait.ge [sflag:s29], $0x1  }
0xb3: {  	[sflag:s29] =	ssyncadd.s32 $0xFFFFFFFF  }
0xb4: {  	_ =	strace $0x90000048  }
0xb5: {  	_ =	sfence  }
0xb6: {  	s30 =	sld [smem:$0x0];
	_ =	sdelay $0x2  }
0xb7: {  	s31 =	sshll.u32 s1, $0xD;
	s1 =	sshrl.u32 s1, $0x2  }
0xb8: {  	s3 =	sand.u32 $0x4000, s31;
	s1 =	sadd.s32 s1, s30  }
0xb9: {  	s0 =	sor.u32 s3, s0;
	s1 =	sshll.u32 s1, $0x11  }
0xba: {  	s0 =	sor.u32 s1, s0  }
0xbb: {  	s0 =	sadd.s32 $0x8F2B, s0  }
0xbc: {  	[sflag:s0] =	ssyncadd.remote.s32 $0x1  }
0xbd: {  	_ =	sfence.sel $0xFFFF  }
0xbe: {  	[dreg:$0x0] =	wrdreg $0xFFFFFFFF;
	(pc) =	sbr.abs _section_cstart, $3  }
0xbf: {  	[dreg:$0x1] =	wrdreg $0xFFFFFFFF  }
0xc0: {  	_ =	task.clear_ibuf [dreg:s6], $0x2FFFF;
	_ =	strace $0x9FFFFFFF  }
0xc1: {  	(tm) =	ssettm $0x7FFFFFFF  }
tec
execute0_lowered:
.L_overlay_start_1:
0x0: {  	(tag) =	ssettag $0x1  }
0x1: {  	s2 =	rddreg [dreg:$0x0]  }
0x2: {  	s0 =	rddreg [dreg:$0x1]  }
0x3: {  	s1 =	srdreg.scid;
	_ =	strace $0x80000047;
	s4 =	simm.s32 $0x1  }
0x4: {  	s9 =	simm.s32 $0x3;
	s12 =	simm.s32 $0x0;
	s5 =	sshll.u32 s1, $0x4  }
.Ltmp0:
0x5: {  	s1 =	stileid.u32;
	s5 =	sand.u32 $0x10, s5;
	(pc) =	sbr.rel .LBB2_1-.Ltmp0, $4  }
0x6: {  	s10 =	simm.s32 $0x0;
	s3 =	sadd.s32 $0x10000, s2;
	s6 =	sor.u32 s1, s5  }
0x7: {  	[sflag:s4] =	ssyncpa.u1 $0x0;
	s5 =	simm.s32 $0x2;
	s6 =	sshll.u32 s6, $0x7  }
0x8: {  	s7 =	sadd.s32 $0x10200, s2;
	[sflag:s5] =	ssyncpa.u1 $0x0;
	s8 =	sadd.s32 $0x80, s6  }
0x9: {  	vm0 =	vmmov $0xff;
	vm1 =	vcmask $0x3F20;
	[sflag:s9] =	ssyncpa.u1 $0x0;
	s9 =	simm.s32 $0x80;
	s11 =	smov.u32 s6  }
.LBB2_9:
0xa: {  	p0 =	seq.s32 s10, $0x2  }
.Ltmp1:
0xb: {  	_ = 	snop;
	(pc) =	sbr.rel @p0 .LBB2_11-.Ltmp1, $1  }
0xc: {  	_ =	sdelay $0x3  }
.LBB2_10:
0xd: {  	s12 =	sadd.s32 $0x80, s11  }
0xe: {  	s13 =	smov.u32 s6;
	p0 =	slt.s32 s12, s8  }
0xf: {  	s13 =	smov.u32 @p0 s12  }
0x10: {  	s10 =	sadd.s32 $0x1, s10;
	s12 =	smov.u32 s11;
	s11 =	smov.u32 s13  }
.LBB2_1:
0x11: {  	p0 =	sne.s32 s10, $0x0  }
.Ltmp2:
0x12: {  	_ = 	snop;
	(pc) =	sbr.rel @!p0 .LBB2_2-.Ltmp2, $1  }
0x13: {  	_ =	sdelay $0x3  }
0x14: {  	s13 =	sand.u32 $0x1, s10  }
0x15: {  	p0 =	seq.s32 s13, $0x0  }
.Ltmp3:
0x16: {  	_ = 	snop;
	(pc) =	sbr.rel @p0 .LBB2_9-.Ltmp3, $1  }
0x17: {  	_ =	sdelay $0x3  }
0x18: {  	_ =	swait.ge [sflag:s5], $0x80  }
0x19: {  	[sflag:s5] =	ssyncset.done $0x0  }
0x1a: {  	s13 =	simm.s32 $0x0;
	[sflag:s5] =	ssyncadd.s32 $0xFFFFFF80  }
0x1b: {  	v0 =	vld.msk [tilespmem:s13+$0x80 ss:$0x1], $0xffff;
	_ =	sdelay $0x4  }
0x1c: {  	vm2 =	vgt.s32 v0, $0x0  }
0x1d: {  	v0 =	vnsel vm2, $0x0, v0  }
0x1e: {  	v0 =	vmin.u32 v0, $0xFFF  }
0x1f: {  	v0 =	vshll.u32 v0, $0x4;
	_ =	sdelay $0x3  }
0x20: {  	s13 =	simm.s32 $0x4100  }
0x21: {  	[tilespmem:s13], [sflag:$0x1] =	stream.indirect_vreg.gather [hbm:s2], $0x80, v0, vm0, $0x38;
	[tilespmem:$0x8100] =	vst v63  }
0x22: {  	s14 =	simm.s32 $0x4500;
	s31 =	simm.s32 $0x10  }
0x23: {  	[tilespmem:s14], [sflag:$0x1] =	stream.indirect_vreg.gather [hbm:s2], $0x80, v0, vm1, $0x38;
	[tilespmem:$0x8100] =	vst v63  }
0x24: {  	s14 =	simm.s32 $0x80;
	v0 =	vld.msk [tilespmem:s31+$0x80 ss:$0x1], $0xffff  }
.LBB2_5:
0x25: {  	p0 =	sne.s32 s14, $0x1C0;
	_ =	sdelay $0x4  }
0x26: {  	vm2 =	vgt.s32 v0, $0x0  }
0x27: {  	v0 =	vnsel vm2, $0x0, v0  }
0x28: {  	v0 =	vmin.u32 v0, $0xFFF  }
0x29: {  	v0 =	vshll.u32 v0, $0x4;
	_ =	sdelay $0x3  }
.Ltmp4:
0x2a: {  	s13 =	sadd.s32 $0x800, s13;
	(pc) =	sbr.rel @p0 .LBB2_5-.Ltmp4, $4  }
0x2b: {  	[tilespmem:s13], [sflag:$0x1] =	stream.indirect_vreg.gather [hbm:s2], $0x80, v0, vm0, $0x38;
	[tilespmem:$0x8100] =	vst v63  }
0x2c: {  	s15 =	sshra.s32 s14, $0x2;
	s16 =	sadd.s32 $0x400, s13  }
0x2d: {  	[tilespmem:s16], [sflag:$0x1] =	stream.indirect_vreg.gather [hbm:s2], $0x80, v0, vm1, $0x38;
	[tilespmem:$0x8100] =	vst v63  }
0x2e: {  	s14 =	sadd.s32 $0x40, s14;
	v0 =	vld.msk [tilespmem:s15+$0x80 ss:$0x1], $0xffff  }
0x2f: {  	_ =	sdelay $0x3  }
0x30: {  	vm2 =	vgt.s32 v0, $0x0  }
0x31: {  	v0 =	vnsel vm2, $0x0, v0  }
0x32: {  	v0 =	vmin.u32 v0, $0xFFF  }
0x33: {  	v0 =	vshll.u32 v0, $0x4;
	_ =	sdelay $0x3  }
0x34: {  	s13 =	sadd.s32 $0x800, s13  }
0x35: {  	[tilespmem:s13], [sflag:$0x1] =	stream.indirect_vreg.gather [hbm:s2], $0x80, v0, vm0, $0x38;
	[tilespmem:$0x8100] =	vst v63  }
0x36: {  	s13 =	sadd.s32 $0x400, s13  }
0x37: {  	[tilespmem:s13], [sflag:$0x1] =	stream.indirect_vreg.gather [hbm:s2], $0x80, v0, vm1, $0x38;
	[tilespmem:$0x8100] =	vst v63  }
0x38: {  	s12 =	sshll.u32 s12, $0x4;
	s14 =	simm.s32 $0x80;
	_ =	swait.ge [sflag:s4], $0x4000  }
0x39: {  	s15 =	simm.s32 $0x4500;
	s12 =	sadd.s32 s12, s7;
	[sflag:s4] =	ssyncset.done $0x0  }
0x3a: {  	s16 =	sadd.s32 $0x0, s12;
	s13 =	simm.s32 $0x4100;
	[sflag:s4] =	ssyncadd.s32 $0xFFFFC000  }
.LBB2_7:
0x3b: {  	[hbm:s16] =	stream.linear.scatter [tilespmem:s13], [sflag:$0x3], $0x400, $0x38;
	[tilespmem:$0x8100] =	vst v63  }
0x3c: {  	s16 =	smov.u32 s14;
	s13 =	smov.u32 s15;
	p0 =	sne.s32 s14, $0x780  }
.Ltmp5:
0x3d: {  	s14 =	sadd.s32 $0x80, s14;
	(pc) =	sbr.rel @p0 .LBB2_7-.Ltmp5, $2  }
0x3e: {  	_ =	sdelay $0x2  }
0x3f: {  	s15 =	sadd.s32 $0x400, s15;
	s16 =	sadd.s32 s16, s12  }
.Ltmp6:
0x40: {  	(pc) =	sbr.rel .LBB2_9-.Ltmp6, $2  }
0x41: {  	_ =	sdelay $0x2  }
0x42: {  	[hbm:s16] =	stream.linear.scatter [tilespmem:s13], [sflag:$0x3], $0x400, $0x38;
	[tilespmem:$0x8100] =	vst v63  }
.LBB2_2:
.Ltmp7:
0x43: {  	(pc) =	sbr.rel .LBB2_10-.Ltmp7, $4  }
0x44: {  	_ = 	snop  }
0x45: {  	s12 =	sshrl.u32 s11, $0x3  }
0x46: {  	s13 =	sand.u32 $0x7, s11;
	s12 =	sadd.s32 s3, s12  }
0x47: {  	[tilespmem:s9], [sflag:$0x2] =	stream.linear.gather [hbm4b:s12+s13], $0x80, $0x38;
	[tilespmem:$0x8100] =	vst v63  }
.LBB2_11:
0x48: {  	s2 =	simm.s32 $0x3  }
0x49: {  	_ =	swait.ge [sflag:s2], $0x4000  }
0x4a: {  	[sflag:s2] =	ssyncset.done $0x0  }
0x4b: {  	[sflag:s2] =	ssyncadd.s32 $0xFFFFC000  }
0x4c: {  	_ =	sfence.sel $0x180000  }
0x4d: {  	s3 =	simm.s32 $0x2;
	[bflag:$0x0] =	sbarrier.arrive $0xFFFF  }
0x4e: {  	[sflag:s3] =	ssyncpa.u1 $0x1  }
0x4f: {  	s31 =	simm.s32 $0x1;
	[sflag:s2] =	ssyncpa.u1 $0x1  }
0x50: {  	[sflag:s31] =	ssyncpa.u1 $0x1  }
0x51: {  	p0 =	sne.s32 s1, $0x0;
	_ =	strace $0x90000047  }
0x52: {  	s0 =	sadd.s32 @!p0 $0x100000, s0;
	[bflag:$0x2] =	sbarrier.arrive $0xFFFF  }
0x53: {  	[sflag:s0] =	ssyncadd.tile.s32 @!p0 $0x1;
	_ =	shalt  }
.Lfunc_end2:
_tile_overlayer_lowered:
.L_overlay_start_2:
0x54: {  	(tag) =	ssettag $0x2  }
0x55: {  	s0 =	rddreg [dreg:$0x0];
	s2 =	stileid.u32  }
0x56: {  	s1 =	rddreg [dreg:$0x1];
	p0 =	sne.s32 s2, $0x0  }
0x57: {  	s3 =	rddreg [dreg:$0x2];
	[bflag:$0x3] =	sbarrier.arrive $0xFFFF;
	s2 =	simm.s32 @!p0 $0x1C01  }
0x58: {  	[timem:s3], [sflag:s2] =	dma.local @!p0 [hbm:s0], s1  }
0x59: {  	s0 =	simm.s32 @!p0 $0x1  }
0x5a: {  	_ =	swait.ge @!p0 [sflag:s0], s1  }
0x5b: {  	s1 =	ssub.s32 @!p0 $0x0, s1;
	[sflag:s0] =	ssyncset.done @!p0 $0x0  }
0x5c: {  	[sflag:s0] =	ssyncadd.s32 @!p0 s1  }
0x5d: {  	[bflag:$0x3] =	sbarrier.arrive $0xFFFF  }
0x5e: {  	_ =	shalt  }

</sc_bundles>
